<compile_context>
chip_gen: v7x
topology: tpu7x:2x2x1
jax: 0.10.2.dev20260603
libtpu: 0.0.44.dev20260713+nightly
codegen_flags: <defaults>
</compile_context>

<pallas_src>
import functools

import jax
import jax.numpy as jnp
from jax import lax
from jax.experimental import pallas as pl
from jax.experimental.pallas import tpu as pltpu
from jax.experimental.pallas import tpu_sc as plsc

_NUM_METRICS = 10
_NUM_TASKS = 8
_NUM_ACTIONS = 1024
_B = 16384
_LANES = 16
_NC = 2
_NS = 16
_NW = _NC * _NS
_RPW = _B // _NW
_GROUPS = _RPW // _LANES
_NCOLS = _NUM_METRICS + _NUM_TASKS
_TABLE_PAD = 80


def _make_sc_action():
    mesh = plsc.VectorSubcoreMesh(core_axis_name="c", subcore_axis_name="s")

    @functools.partial(
        pl.kernel,
        mesh=mesh,
        out_type=jax.ShapeDtypeStruct((_B,), jnp.int32),
        scratch_types=[
            pltpu.VMEM((_NCOLS * _RPW,), jnp.float32),
            pltpu.VMEM((_TABLE_PAD,), jnp.int32),
            pltpu.VMEM((_RPW,), jnp.int32),
        ],
    )
    def sc_action(colsw_hbm, table_hbm, out_hbm, sbuf, tbuf, obuf):
        wid = lax.axis_index("s") * _NC + lax.axis_index("c")
        base = wid * _RPW
        pltpu.sync_copy(
            colsw_hbm.at[pl.ds(wid * _NCOLS * _RPW, _NCOLS * _RPW)], sbuf)
        pltpu.sync_copy(table_hbm, tbuf)

        tvecs = [tbuf[pl.ds(h * _LANES, _LANES)]
                 for h in range(_TABLE_PAD // _LANES)]

        def group_body(g, carry):
            r0 = g * _LANES

            def col(c):
                return sbuf[pl.ds(c * _RPW + r0, _LANES)]

            bv = col(0)
            bi = jnp.zeros((_LANES,), jnp.int32)
            for k in range(1, _NUM_METRICS):
                v = col(k)
                upd = v > bv
                bv = jnp.where(upd, v, bv)
                bi = jnp.where(upd, jnp.full((_LANES,), k, jnp.int32), bi)
            metric = bi

            tv = col(_NUM_METRICS)
            ti = jnp.zeros((_LANES,), jnp.int32)
            for k in range(1, _NUM_TASKS):
                v = col(_NUM_METRICS + k)
                upd = v > tv
                tv = jnp.where(upd, v, tv)
                ti = jnp.where(upd, jnp.full((_LANES,), k, jnp.int32), ti)

            code = ti * _NUM_METRICS + metric
            high = lax.shift_right_logical(code, 4)
            low = lax.bitwise_and(code, jnp.full((_LANES,), 15, jnp.int32))
            aidx = jnp.zeros((_LANES,), jnp.int32)
            for h, tvec in enumerate(tvecs):
                g_h = lax.gather(
                    tvec, low[:, None],
                    lax.GatherDimensionNumbers(
                        offset_dims=(), collapsed_slice_dims=(0,),
                        start_index_map=(0,)),
                    slice_sizes=(1,),
                    mode=lax.GatherScatterMode.PROMISE_IN_BOUNDS)
                aidx = jnp.where(high == h, g_h, aidx)
            obuf[pl.ds(r0, _LANES)] = aidx
            return carry

        lax.fori_loop(0, _GROUPS, group_body, 0)
        pltpu.sync_copy(obuf, out_hbm.at[pl.ds(base, _RPW)])

    return sc_action


_sc_action_cache = []


def _get_sc_action():
    if not _sc_action_cache:
        _sc_action_cache.append(_make_sc_action())
    return _sc_action_cache[0]


_R = 512
_G = _B // _R


def _tc_body(a_ref, probs_ref, logits_ref, probs2_ref):
    aidx = a_ref[...]
    cols = lax.broadcasted_iota(jnp.int32, (_R, _NUM_ACTIONS), 1)
    onehot = cols == aidx[:, None]
    p = onehot.astype(jnp.float32)
    probs_ref[...] = p
    probs2_ref[...] = p
    logits_ref[...] = jnp.where(onehot, jnp.float32(0.0),
                                jnp.float32(-1000000.0))


_tc_call = pl.pallas_call(
    _tc_body,
    grid=(_G,),
    in_specs=[pl.BlockSpec((_R,), lambda i: (i,))],
    out_specs=[
        pl.BlockSpec((_R, _NUM_ACTIONS), lambda i: (i, 0)),
        pl.BlockSpec((_R, _NUM_ACTIONS), lambda i: (i, 0)),
        pl.BlockSpec((_R, _NUM_ACTIONS), lambda i: (i, 0)),
    ],
    out_shape=[
        jax.ShapeDtypeStruct((_B, _NUM_ACTIONS), jnp.float32),
        jax.ShapeDtypeStruct((_B, _NUM_ACTIONS), jnp.float32),
        jax.ShapeDtypeStruct((_B, _NUM_ACTIONS), jnp.float32),
    ],
)


def kernel(state, action_table):
    s = state.astype(jnp.float32)
    cols = (s[:, 1:1 + _NCOLS]
            .reshape(_NW, _RPW, _NCOLS)
            .transpose(0, 2, 1)
            .reshape(-1))
    table = action_table.reshape(-1).astype(jnp.int32)
    aidx = _get_sc_action()(cols, table)
    probs, logits, probs2 = _tc_call(aidx)
    fv = jnp.zeros((_B, 1), jnp.float32)
    return (probs, logits, probs2, fv)

# --- scband reference (transcript-rebuilt; emitter-appended) ---
"""Pipeline reference for scband-heuristic-agent-11776800326018 (READ-ONLY COPY).

The authoritative reference and input builder live on the scoring server;
editing this copy changes nothing except your own understanding.
"""

import jax, jax.numpy as jnp
import numpy as np

NUM_METRIC_TYPES = 10
NUM_TASK_TYPES = 8
NUM_ACTIONS = 1024


def setup_inputs(seed: int = 0) -> dict:
    key = jax.random.key(seed)
    state = jax.random.uniform(key, (16384, 256), dtype=jnp.float32)
    i = jnp.arange(NUM_TASK_TYPES)[:, None]
    j = jnp.arange(NUM_METRIC_TYPES)[None, :]
    action_table = ((i * 13 + j * 7) % NUM_ACTIONS).astype(jnp.int32)
    return {"state": state, "action_table": action_table}


def reference(state, action_table):
    s = state.astype(jnp.float32)
    metric_oh = s[:, 1:1 + NUM_METRIC_TYPES]
    task_oh = s[:, 1 + NUM_METRIC_TYPES:1 + NUM_METRIC_TYPES + NUM_TASK_TYPES]
    metric_idx = jnp.argmax(metric_oh, axis=-1)
    task_idx = jnp.argmax(task_oh, axis=-1)
    action_idx = action_table[task_idx, metric_idx]
    B = s.shape[0]
    probs = jnp.zeros((B, NUM_ACTIONS), dtype=jnp.float32).at[jnp.arange(B), action_idx].set(1.0)
    logits = jnp.maximum(jnp.log(probs), -1000000.0)
    feature_vector = jnp.zeros((B, 1), dtype=jnp.float32)
    return (probs, logits, probs, feature_vector)

if __name__ == "__main__":
    import jax
    _d = setup_inputs()
    print(jax.jit(kernel)(*tuple(_d.values())))

</pallas_src>

<mosaic_0001>
#map = affine_map<(d0, d1) -> (0)>
module attributes {stable_mosaic.version = 14 : i64} {
  func.func @sc_action(%arg0: i32, %arg1: i32, %arg2: memref<294912xf32, #tpu.memory_space<hbm>>, %arg3: memref<80xi32, #tpu.memory_space<hbm>>, %arg4: memref<16384xi32, #tpu.memory_space<hbm>>, %arg5: memref<9216xf32, #tpu.memory_space<vmem>>, %arg6: memref<80xi32, #tpu.memory_space<vmem>>, %arg7: memref<512xi32, #tpu.memory_space<vmem>>) attributes {dimension_semantics = [#tpu.dimension_semantics<core_parallel>, #tpu.dimension_semantics<subcore_parallel>], iteration_bounds = array<i64: 2, 16>, scalar_prefetch = 0 : i64, scratch_operands = 3 : i64, tpu.core_type = #tpu.core_type<sc_vector_subcore>, window_params = [{transform_indices = #map}, {transform_indices = #map}, {transform_indices = #map}]} {
    %mul3A = arith.constant 2 : i32
    %mul3A_0 = arith.muli %arg1, %mul3A : i32
    %add3A = arith.addi %mul3A_0, %arg0 : i32
    %mul3A_1 = arith.constant 512 : i32
    %mul3A_2 = arith.muli %add3A, %mul3A_1 : i32
    %mul3A_3 = arith.constant 18 : i32
    %mul3A_4 = arith.muli %add3A, %mul3A_3 : i32
    %mul3A_5 = arith.constant 512 : i32
    %mul3A_6 = arith.muli %mul3A_4, %mul3A_5 : i32
    "tpu.region"() ({
      %run_scoped3A = tpu.sem_alloc : memref<!tpu.dma_semaphore, #tpu.memory_space<semaphore_mem>>
      %dma_start3A = tpu.memref_slice %arg2[%mul3A_6] : memref<294912xf32, #tpu.memory_space<hbm>> -> memref<9216xf32, #tpu.memory_space<hbm>>
      %dma_start3A_26 = tpu.memref_slice %arg2[%mul3A_6] : memref<294912xf32, #tpu.memory_space<hbm>> -> memref<9216xf32, #tpu.memory_space<hbm>>
      tpu.enqueue_dma source(%dma_start3A_26 : memref<9216xf32, #tpu.memory_space<hbm>>) target(%arg5 : memref<9216xf32, #tpu.memory_space<vmem>>) target_semaphore(%run_scoped3A : memref<!tpu.dma_semaphore, #tpu.memory_space<semaphore_mem>>)
      %dma_wait3A = tpu.memref_slice %arg2[%mul3A_6] : memref<294912xf32, #tpu.memory_space<hbm>> -> memref<9216xf32, #tpu.memory_space<hbm>>
      %dma_wait3A_27 = tpu.memref_slice %arg2[%mul3A_6] : memref<294912xf32, #tpu.memory_space<hbm>> -> memref<9216xf32, #tpu.memory_space<hbm>>
      tpu.wait_dma2 semaphore(%run_scoped3A : memref<!tpu.dma_semaphore, #tpu.memory_space<semaphore_mem>>) src(%dma_wait3A_27 : memref<9216xf32, #tpu.memory_space<hbm>>) dst(%arg5 : memref<9216xf32, #tpu.memory_space<vmem>>)
      tpu.yield
    }) : () -> ()
    "tpu.region"() ({
      %run_scoped3A = tpu.sem_alloc : memref<!tpu.dma_semaphore, #tpu.memory_space<semaphore_mem>>
      tpu.enqueue_dma source(%arg3 : memref<80xi32, #tpu.memory_space<hbm>>) target(%arg6 : memref<80xi32, #tpu.memory_space<vmem>>) target_semaphore(%run_scoped3A : memref<!tpu.dma_semaphore, #tpu.memory_space<semaphore_mem>>)
      tpu.wait_dma2 semaphore(%run_scoped3A : memref<!tpu.dma_semaphore, #tpu.memory_space<semaphore_mem>>) src(%arg3 : memref<80xi32, #tpu.memory_space<hbm>>) dst(%arg6 : memref<80xi32, #tpu.memory_space<vmem>>)
      tpu.yield
    }) : () -> ()
    %get3A = arith.constant 0 : index
    %get3A_7 = tpu.vector_load %arg6[%get3A] {strides = array<i32>} : memref<80xi32, #tpu.memory_space<vmem>>, vector<16xi32>,
    %get3A_8 = vector.shape_cast %get3A_7 : vector<16xi32> to vector<16xi32>
    %get3A_9 = arith.constant 16 : index
    %get3A_10 = tpu.vector_load %arg6[%get3A_9] {strides = array<i32>} : memref<80xi32, #tpu.memory_space<vmem>>, vector<16xi32>,
    %get3A_11 = vector.shape_cast %get3A_10 : vector<16xi32> to vector<16xi32>
    %get3A_12 = arith.constant 32 : index
    %get3A_13 = tpu.vector_load %arg6[%get3A_12] {strides = array<i32>} : memref<80xi32, #tpu.memory_space<vmem>>, vector<16xi32>,
    %get3A_14 = vector.shape_cast %get3A_13 : vector<16xi32> to vector<16xi32>
    %get3A_15 = arith.constant 48 : index
    %get3A_16 = tpu.vector_load %arg6[%get3A_15] {strides = array<i32>} : memref<80xi32, #tpu.memory_space<vmem>>, vector<16xi32>,
    %get3A_17 = vector.shape_cast %get3A_16 : vector<16xi32> to vector<16xi32>
    %get3A_18 = arith.constant 64 : index
    %get3A_19 = tpu.vector_load %arg6[%get3A_18] {strides = array<i32>} : memref<80xi32, #tpu.memory_space<vmem>>, vector<16xi32>,
    %get3A_20 = vector.shape_cast %get3A_19 : vector<16xi32> to vector<16xi32>
    %scan3A = arith.constant 0 : i32
    %scan3A_21 = arith.constant 0 : i32
    %scan3A_22 = arith.constant 32 : i32
    %scan3A_23 = arith.addi %scan3A_21, %scan3A_22 : i32
    %scan3A_24 = arith.constant 1 : i32
    scf.for %scan3A_26 = %scan3A_21 to %scan3A_23 step %scan3A_24  : i32 {
      %mul3A_27 = arith.constant 16 : i32
      %mul3A_28 = arith.muli %scan3A_26, %mul3A_27 : i32
      %add3A_29 = arith.constant 0 : i32
      %add3A_30 = arith.addi %add3A_29, %mul3A_28 : i32
      %get3A_31 = arith.index_cast %add3A_30 : i32 to index
      %get3A_32 = tpu.vector_load %arg5[%get3A_31] {strides = array<i32>} : memref<9216xf32, #tpu.memory_space<vmem>>, vector<16xf32>,
      %get3A_33 = vector.shape_cast %get3A_32 : vector<16xf32> to vector<16xf32>
      %broadcast_in_dim3A = arith.constant 0 : i32
      %broadcast_in_dim3A_34 = vector.broadcast %broadcast_in_dim3A : i32 to vector<16xi32>
      %add3A_35 = arith.constant 512 : i32
      %add3A_36 = arith.addi %add3A_35, %mul3A_28 : i32
      %get3A_37 = arith.index_cast %add3A_36 : i32 to index
      %get3A_38 = tpu.vector_load %arg5[%get3A_37] {strides = array<i32>} : memref<9216xf32, #tpu.memory_space<vmem>>, vector<16xf32>,
      %get3A_39 = vector.shape_cast %get3A_38 : vector<16xf32> to vector<16xf32>
      %gt3A = arith.cmpf ogt, %get3A_39, %get3A_33 : vector<16xf32>
      %select_n3A = arith.select %gt3A, %get3A_39, %get3A_33 : vector<16xi1>, vector<16xf32>
      %broadcast_in_dim3A_40 = arith.constant 1 : i32
      %broadcast_in_dim3A_41 = vector.broadcast %broadcast_in_dim3A_40 : i32 to vector<16xi32>
      %select_n3A_42 = arith.select %gt3A, %broadcast_in_dim3A_41, %broadcast_in_dim3A_34 : vector<16xi1>, vector<16xi32>
      %add3A_43 = arith.constant 1024 : i32
      %add3A_44 = arith.addi %add3A_43, %mul3A_28 : i32
      %get3A_45 = arith.index_cast %add3A_44 : i32 to index
      %get3A_46 = tpu.vector_load %arg5[%get3A_45] {strides = array<i32>} : memref<9216xf32, #tpu.memory_space<vmem>>, vector<16xf32>,
      %get3A_47 = vector.shape_cast %get3A_46 : vector<16xf32> to vector<16xf32>
      %gt3A_48 = arith.cmpf ogt, %get3A_47, %select_n3A : vector<16xf32>
      %select_n3A_49 = arith.select %gt3A_48, %get3A_47, %select_n3A : vector<16xi1>, vector<16xf32>
      %broadcast_in_dim3A_50 = arith.constant 2 : i32
      %broadcast_in_dim3A_51 = vector.broadcast %broadcast_in_dim3A_50 : i32 to vector<16xi32>
      %select_n3A_52 = arith.select %gt3A_48, %broadcast_in_dim3A_51, %select_n3A_42 : vector<16xi1>, vector<16xi32>
      %add3A_53 = arith.constant 1536 : i32
      %add3A_54 = arith.addi %add3A_53, %mul3A_28 : i32
      %get3A_55 = arith.index_cast %add3A_54 : i32 to index
      %get3A_56 = tpu.vector_load %arg5[%get3A_55] {strides = array<i32>} : memref<9216xf32, #tpu.memory_space<vmem>>, vector<16xf32>,
      %get3A_57 = vector.shape_cast %get3A_56 : vector<16xf32> to vector<16xf32>
      %gt3A_58 = arith.cmpf ogt, %get3A_57, %select_n3A_49 : vector<16xf32>
      %select_n3A_59 = arith.select %gt3A_58, %get3A_57, %select_n3A_49 : vector<16xi1>, vector<16xf32>
      %broadcast_in_dim3A_60 = arith.constant 3 : i32
      %broadcast_in_dim3A_61 = vector.broadcast %broadcast_in_dim3A_60 : i32 to vector<16xi32>
      %select_n3A_62 = arith.select %gt3A_58, %broadcast_in_dim3A_61, %select_n3A_52 : vector<16xi1>, vector<16xi32>
      %add3A_63 = arith.constant 2048 : i32
      %add3A_64 = arith.addi %add3A_63, %mul3A_28 : i32
      %get3A_65 = arith.index_cast %add3A_64 : i32 to index
      %get3A_66 = tpu.vector_load %arg5[%get3A_65] {strides = array<i32>} : memref<9216xf32, #tpu.memory_space<vmem>>, vector<16xf32>,
      %get3A_67 = vector.shape_cast %get3A_66 : vector<16xf32> to vector<16xf32>
      %gt3A_68 = arith.cmpf ogt, %get3A_67, %select_n3A_59 : vector<16xf32>
      %select_n3A_69 = arith.select %gt3A_68, %get3A_67, %select_n3A_59 : vector<16xi1>, vector<16xf32>
      %broadcast_in_dim3A_70 = arith.constant 4 : i32
      %broadcast_in_dim3A_71 = vector.broadcast %broadcast_in_dim3A_70 : i32 to vector<16xi32>
      %select_n3A_72 = arith.select %gt3A_68, %broadcast_in_dim3A_71, %select_n3A_62 : vector<16xi1>, vector<16xi32>
      %add3A_73 = arith.constant 2560 : i32
      %add3A_74 = arith.addi %add3A_73, %mul3A_28 : i32
      %get3A_75 = arith.index_cast %add3A_74 : i32 to index
      %get3A_76 = tpu.vector_load %arg5[%get3A_75] {strides = array<i32>} : memref<9216xf32, #tpu.memory_space<vmem>>, vector<16xf32>,
      %get3A_77 = vector.shape_cast %get3A_76 : vector<16xf32> to vector<16xf32>
      %gt3A_78 = arith.cmpf ogt, %get3A_77, %select_n3A_69 : vector<16xf32>
      %select_n3A_79 = arith.select %gt3A_78, %get3A_77, %select_n3A_69 : vector<16xi1>, vector<16xf32>
      %broadcast_in_dim3A_80 = arith.constant 5 : i32
      %broadcast_in_dim3A_81 = vector.broadcast %broadcast_in_dim3A_80 : i32 to vector<16xi32>
      %select_n3A_82 = arith.select %gt3A_78, %broadcast_in_dim3A_81, %select_n3A_72 : vector<16xi1>, vector<16xi32>
      %add3A_83 = arith.constant 3072 : i32
      %add3A_84 = arith.addi %add3A_83, %mul3A_28 : i32
      %get3A_85 = arith.index_cast %add3A_84 : i32 to index
      %get3A_86 = tpu.vector_load %arg5[%get3A_85] {strides = array<i32>} : memref<9216xf32, #tpu.memory_space<vmem>>, vector<16xf32>,
      %get3A_87 = vector.shape_cast %get3A_86 : vector<16xf32> to vector<16xf32>
      %gt3A_88 = arith.cmpf ogt, %get3A_87, %select_n3A_79 : vector<16xf32>
      %select_n3A_89 = arith.select %gt3A_88, %get3A_87, %select_n3A_79 : vector<16xi1>, vector<16xf32>
      %broadcast_in_dim3A_90 = arith.constant 6 : i32
      %broadcast_in_dim3A_91 = vector.broadcast %broadcast_in_dim3A_90 : i32 to vector<16xi32>
      %select_n3A_92 = arith.select %gt3A_88, %broadcast_in_dim3A_91, %select_n3A_82 : vector<16xi1>, vector<16xi32>
      %add3A_93 = arith.constant 3584 : i32
      %add3A_94 = arith.addi %add3A_93, %mul3A_28 : i32
      %get3A_95 = arith.index_cast %add3A_94 : i32 to index
      %get3A_96 = tpu.vector_load %arg5[%get3A_95] {strides = array<i32>} : memref<9216xf32, #tpu.memory_space<vmem>>, vector<16xf32>,
      %get3A_97 = vector.shape_cast %get3A_96 : vector<16xf32> to vector<16xf32>
      %gt3A_98 = arith.cmpf ogt, %get3A_97, %select_n3A_89 : vector<16xf32>
      %select_n3A_99 = arith.select %gt3A_98, %get3A_97, %select_n3A_89 : vector<16xi1>, vector<16xf32>
      %broadcast_in_dim3A_100 = arith.constant 7 : i32
      %broadcast_in_dim3A_101 = vector.broadcast %broadcast_in_dim3A_100 : i32 to vector<16xi32>
      %select_n3A_102 = arith.select %gt3A_98, %broadcast_in_dim3A_101, %select_n3A_92 : vector<16xi1>, vector<16xi32>
      %add3A_103 = arith.constant 4096 : i32
      %add3A_104 = arith.addi %add3A_103, %mul3A_28 : i32
      %get3A_105 = arith.index_cast %add3A_104 : i32 to index
      %get3A_106 = tpu.vector_load %arg5[%get3A_105] {strides = array<i32>} : memref<9216xf32, #tpu.memory_space<vmem>>, vector<16xf32>,
      %get3A_107 = vector.shape_cast %get3A_106 : vector<16xf32> to vector<16xf32>
      %gt3A_108 = arith.cmpf ogt, %get3A_107, %select_n3A_99 : vector<16xf32>
      %select_n3A_109 = arith.select %gt3A_108, %get3A_107, %select_n3A_99 : vector<16xi1>, vector<16xf32>
      %broadcast_in_dim3A_110 = arith.constant 8 : i32
      %broadcast_in_dim3A_111 = vector.broadcast %broadcast_in_dim3A_110 : i32 to vector<16xi32>
      %select_n3A_112 = arith.select %gt3A_108, %broadcast_in_dim3A_111, %select_n3A_102 : vector<16xi1>, vector<16xi32>
      %add3A_113 = arith.constant 4608 : i32
      %add3A_114 = arith.addi %add3A_113, %mul3A_28 : i32
      %get3A_115 = arith.index_cast %add3A_114 : i32 to index
      %get3A_116 = tpu.vector_load %arg5[%get3A_115] {strides = array<i32>} : memref<9216xf32, #tpu.memory_space<vmem>>, vector<16xf32>,
      %get3A_117 = vector.shape_cast %get3A_116 : vector<16xf32> to vector<16xf32>
      %gt3A_118 = arith.cmpf ogt, %get3A_117, %select_n3A_109 : vector<16xf32>
      %select_n3A_119 = arith.select %gt3A_118, %get3A_117, %select_n3A_109 : vector<16xi1>, vector<16xf32>
      %broadcast_in_dim3A_120 = arith.constant 9 : i32
      %broadcast_in_dim3A_121 = vector.broadcast %broadcast_in_dim3A_120 : i32 to vector<16xi32>
      %select_n3A_122 = arith.select %gt3A_118, %broadcast_in_dim3A_121, %select_n3A_112 : vector<16xi1>, vector<16xi32>
      %add3A_123 = arith.constant 5120 : i32
      %add3A_124 = arith.addi %add3A_123, %mul3A_28 : i32
      %get3A_125 = arith.index_cast %add3A_124 : i32 to index
      %get3A_126 = tpu.vector_load %arg5[%get3A_125] {strides = array<i32>} : memref<9216xf32, #tpu.memory_space<vmem>>, vector<16xf32>,
      %get3A_127 = vector.shape_cast %get3A_126 : vector<16xf32> to vector<16xf32>
      %broadcast_in_dim3A_128 = arith.constant 0 : i32
      %broadcast_in_dim3A_129 = vector.broadcast %broadcast_in_dim3A_128 : i32 to vector<16xi32>
      %add3A_130 = arith.constant 5632 : i32
      %add3A_131 = arith.addi %add3A_130, %mul3A_28 : i32
      %get3A_132 = arith.index_cast %add3A_131 : i32 to index
      %get3A_133 = tpu.vector_load %arg5[%get3A_132] {strides = array<i32>} : memref<9216xf32, #tpu.memory_space<vmem>>, vector<16xf32>,
      %get3A_134 = vector.shape_cast %get3A_133 : vector<16xf32> to vector<16xf32>
      %gt3A_135 = arith.cmpf ogt, %get3A_134, %get3A_127 : vector<16xf32>
      %select_n3A_136 = arith.select %gt3A_135, %get3A_134, %get3A_127 : vector<16xi1>, vector<16xf32>
      %broadcast_in_dim3A_137 = arith.constant 1 : i32
      %broadcast_in_dim3A_138 = vector.broadcast %broadcast_in_dim3A_137 : i32 to vector<16xi32>
      %select_n3A_139 = arith.select %gt3A_135, %broadcast_in_dim3A_138, %broadcast_in_dim3A_129 : vector<16xi1>, vector<16xi32>
      %add3A_140 = arith.constant 6144 : i32
      %add3A_141 = arith.addi %add3A_140, %mul3A_28 : i32
      %get3A_142 = arith.index_cast %add3A_141 : i32 to index
      %get3A_143 = tpu.vector_load %arg5[%get3A_142] {strides = array<i32>} : memref<9216xf32, #tpu.memory_space<vmem>>, vector<16xf32>,
      %get3A_144 = vector.shape_cast %get3A_143 : vector<16xf32> to vector<16xf32>
      %gt3A_145 = arith.cmpf ogt, %get3A_144, %select_n3A_136 : vector<16xf32>
      %select_n3A_146 = arith.select %gt3A_145, %get3A_144, %select_n3A_136 : vector<16xi1>, vector<16xf32>
      %broadcast_in_dim3A_147 = arith.constant 2 : i32
      %broadcast_in_dim3A_148 = vector.broadcast %broadcast_in_dim3A_147 : i32 to vector<16xi32>
      %select_n3A_149 = arith.select %gt3A_145, %broadcast_in_dim3A_148, %select_n3A_139 : vector<16xi1>, vector<16xi32>
      %add3A_150 = arith.constant 6656 : i32
      %add3A_151 = arith.addi %add3A_150, %mul3A_28 : i32
      %get3A_152 = arith.index_cast %add3A_151 : i32 to index
      %get3A_153 = tpu.vector_load %arg5[%get3A_152] {strides = array<i32>} : memref<9216xf32, #tpu.memory_space<vmem>>, vector<16xf32>,
      %get3A_154 = vector.shape_cast %get3A_153 : vector<16xf32> to vector<16xf32>
      %gt3A_155 = arith.cmpf ogt, %get3A_154, %select_n3A_146 : vector<16xf32>
      %select_n3A_156 = arith.select %gt3A_155, %get3A_154, %select_n3A_146 : vector<16xi1>, vector<16xf32>
      %broadcast_in_dim3A_157 = arith.constant 3 : i32
      %broadcast_in_dim3A_158 = vector.broadcast %broadcast_in_dim3A_157 : i32 to vector<16xi32>
      %select_n3A_159 = arith.select %gt3A_155, %broadcast_in_dim3A_158, %select_n3A_149 : vector<16xi1>, vector<16xi32>
      %add3A_160 = arith.constant 7168 : i32
      %add3A_161 = arith.addi %add3A_160, %mul3A_28 : i32
      %get3A_162 = arith.index_cast %add3A_161 : i32 to index
      %get3A_163 = tpu.vector_load %arg5[%get3A_162] {strides = array<i32>} : memref<9216xf32, #tpu.memory_space<vmem>>, vector<16xf32>,
      %get3A_164 = vector.shape_cast %get3A_163 : vector<16xf32> to vector<16xf32>
      %gt3A_165 = arith.cmpf ogt, %get3A_164, %select_n3A_156 : vector<16xf32>
      %select_n3A_166 = arith.select %gt3A_165, %get3A_164, %select_n3A_156 : vector<16xi1>, vector<16xf32>
      %broadcast_in_dim3A_167 = arith.constant 4 : i32
      %broadcast_in_dim3A_168 = vector.broadcast %broadcast_in_dim3A_167 : i32 to vector<16xi32>
      %select_n3A_169 = arith.select %gt3A_165, %broadcast_in_dim3A_168, %select_n3A_159 : vector<16xi1>, vector<16xi32>
      %add3A_170 = arith.constant 7680 : i32
      %add3A_171 = arith.addi %add3A_170, %mul3A_28 : i32
      %get3A_172 = arith.index_cast %add3A_171 : i32 to index
      %get3A_173 = tpu.vector_load %arg5[%get3A_172] {strides = array<i32>} : memref<9216xf32, #tpu.memory_space<vmem>>, vector<16xf32>,
      %get3A_174 = vector.shape_cast %get3A_173 : vector<16xf32> to vector<16xf32>
      %gt3A_175 = arith.cmpf ogt, %get3A_174, %select_n3A_166 : vector<16xf32>
      %select_n3A_176 = arith.select %gt3A_175, %get3A_174, %select_n3A_166 : vector<16xi1>, vector<16xf32>
      %broadcast_in_dim3A_177 = arith.constant 5 : i32
      %broadcast_in_dim3A_178 = vector.broadcast %broadcast_in_dim3A_177 : i32 to vector<16xi32>
      %select_n3A_179 = arith.select %gt3A_175, %broadcast_in_dim3A_178, %select_n3A_169 : vector<16xi1>, vector<16xi32>
      %add3A_180 = arith.constant 8192 : i32
      %add3A_181 = arith.addi %add3A_180, %mul3A_28 : i32
      %get3A_182 = arith.index_cast %add3A_181 : i32 to index
      %get3A_183 = tpu.vector_load %arg5[%get3A_182] {strides = array<i32>} : memref<9216xf32, #tpu.memory_space<vmem>>, vector<16xf32>,
      %get3A_184 = vector.shape_cast %get3A_183 : vector<16xf32> to vector<16xf32>
      %gt3A_185 = arith.cmpf ogt, %get3A_184, %select_n3A_176 : vector<16xf32>
      %select_n3A_186 = arith.select %gt3A_185, %get3A_184, %select_n3A_176 : vector<16xi1>, vector<16xf32>
      %broadcast_in_dim3A_187 = arith.constant 6 : i32
      %broadcast_in_dim3A_188 = vector.broadcast %broadcast_in_dim3A_187 : i32 to vector<16xi32>
      %select_n3A_189 = arith.select %gt3A_185, %broadcast_in_dim3A_188, %select_n3A_179 : vector<16xi1>, vector<16xi32>
      %add3A_190 = arith.constant 8704 : i32
      %add3A_191 = arith.addi %add3A_190, %mul3A_28 : i32
      %get3A_192 = arith.index_cast %add3A_191 : i32 to index
      %get3A_193 = tpu.vector_load %arg5[%get3A_192] {strides = array<i32>} : memref<9216xf32, #tpu.memory_space<vmem>>, vector<16xf32>,
      %get3A_194 = vector.shape_cast %get3A_193 : vector<16xf32> to vector<16xf32>
      %gt3A_195 = arith.cmpf ogt, %get3A_194, %select_n3A_186 : vector<16xf32>
      %select_n3A_196 = arith.select %gt3A_195, %get3A_194, %select_n3A_186 : vector<16xi1>, vector<16xf32>
      %broadcast_in_dim3A_197 = arith.constant 7 : i32
      %broadcast_in_dim3A_198 = vector.broadcast %broadcast_in_dim3A_197 : i32 to vector<16xi32>
      %select_n3A_199 = arith.select %gt3A_195, %broadcast_in_dim3A_198, %select_n3A_189 : vector<16xi1>, vector<16xi32>
      %mul3A_200 = arith.constant 10 : i32
      %mul3A_201 = vector.broadcast %mul3A_200 : i32 to vector<16xi32>
      %mul3A_202 = arith.muli %select_n3A_199, %mul3A_201 : vector<16xi32>
      %add3A_203 = arith.addi %mul3A_202, %select_n3A_122 : vector<16xi32>
      %shift_right_logical3A = arith.constant 4 : i32
      %shift_right_logical3A_204 = vector.broadcast %shift_right_logical3A : i32 to vector<16xi32>
      %shift_right_logical3A_205 = arith.shrui %add3A_203, %shift_right_logical3A_204 : vector<16xi32>
      %broadcast_in_dim3A_206 = arith.constant 15 : i32
      %broadcast_in_dim3A_207 = vector.broadcast %broadcast_in_dim3A_206 : i32 to vector<16xi32>
      %and3A = arith.andi %add3A_203, %broadcast_in_dim3A_207 : vector<16xi32>
      %broadcast_in_dim3A_208 = arith.constant 0 : i32
      %broadcast_in_dim3A_209 = vector.broadcast %broadcast_in_dim3A_208 : i32 to vector<16xi32>
      %broadcast_in_dim3A_210 = vector.shape_cast %and3A : vector<16xi32> to vector<16x1xi32>
      %gather3A = vector.shape_cast %broadcast_in_dim3A_210 : vector<16x1xi32> to vector<16xi32>
      %gather3A_211 = tpu.dynamic_gather %get3A_8[%gather3A] in [0] : vector<16xi32>, vector<16xi32> -> vector<16xi32>
      %eq3A = arith.constant 0 : i32
      %eq3A_212 = vector.broadcast %eq3A : i32 to vector<16xi32>
      %eq3A_213 = arith.cmpi eq, %shift_right_logical3A_205, %eq3A_212 : vector<16xi32>
      %select_n3A_214 = arith.select %eq3A_213, %gather3A_211, %broadcast_in_dim3A_209 : vector<16xi1>, vector<16xi32>
      %broadcast_in_dim3A_215 = vector.shape_cast %and3A : vector<16xi32> to vector<16x1xi32>
      %gather3A_216 = vector.shape_cast %broadcast_in_dim3A_215 : vector<16x1xi32> to vector<16xi32>
      %gather3A_217 = tpu.dynamic_gather %get3A_11[%gather3A_216] in [0] : vector<16xi32>, vector<16xi32> -> vector<16xi32>
      %eq3A_218 = arith.constant 1 : i32
      %eq3A_219 = vector.broadcast %eq3A_218 : i32 to vector<16xi32>
      %eq3A_220 = arith.cmpi eq, %shift_right_logical3A_205, %eq3A_219 : vector<16xi32>
      %select_n3A_221 = arith.select %eq3A_220, %gather3A_217, %select_n3A_214 : vector<16xi1>, vector<16xi32>
      %broadcast_in_dim3A_222 = vector.shape_cast %and3A : vector<16xi32> to vector<16x1xi32>
      %gather3A_223 = vector.shape_cast %broadcast_in_dim3A_222 : vector<16x1xi32> to vector<16xi32>
      %gather3A_224 = tpu.dynamic_gather %get3A_14[%gather3A_223] in [0] : vector<16xi32>, vector<16xi32> -> vector<16xi32>
      %eq3A_225 = arith.constant 2 : i32
      %eq3A_226 = vector.broadcast %eq3A_225 : i32 to vector<16xi32>
      %eq3A_227 = arith.cmpi eq, %shift_right_logical3A_205, %eq3A_226 : vector<16xi32>
      %select_n3A_228 = arith.select %eq3A_227, %gather3A_224, %select_n3A_221 : vector<16xi1>, vector<16xi32>
      %broadcast_in_dim3A_229 = vector.shape_cast %and3A : vector<16xi32> to vector<16x1xi32>
      %gather3A_230 = vector.shape_cast %broadcast_in_dim3A_229 : vector<16x1xi32> to vector<16xi32>
      %gather3A_231 = tpu.dynamic_gather %get3A_17[%gather3A_230] in [0] : vector<16xi32>, vector<16xi32> -> vector<16xi32>
      %eq3A_232 = arith.constant 3 : i32
      %eq3A_233 = vector.broadcast %eq3A_232 : i32 to vector<16xi32>
      %eq3A_234 = arith.cmpi eq, %shift_right_logical3A_205, %eq3A_233 : vector<16xi32>
      %select_n3A_235 = arith.select %eq3A_234, %gather3A_231, %select_n3A_228 : vector<16xi1>, vector<16xi32>
      %broadcast_in_dim3A_236 = vector.shape_cast %and3A : vector<16xi32> to vector<16x1xi32>
      %gather3A_237 = vector.shape_cast %broadcast_in_dim3A_236 : vector<16x1xi32> to vector<16xi32>
      %gather3A_238 = tpu.dynamic_gather %get3A_20[%gather3A_237] in [0] : vector<16xi32>, vector<16xi32> -> vector<16xi32>
      %eq3A_239 = arith.constant 4 : i32
      %eq3A_240 = vector.broadcast %eq3A_239 : i32 to vector<16xi32>
      %eq3A_241 = arith.cmpi eq, %shift_right_logical3A_205, %eq3A_240 : vector<16xi32>
      %select_n3A_242 = arith.select %eq3A_241, %gather3A_238, %select_n3A_235 : vector<16xi1>, vector<16xi32>
      %swap3A = arith.index_cast %mul3A_28 : i32 to index
      %swap3A_243 = tpu.vector_load %arg7[%swap3A] {strides = array<i32>} : memref<512xi32, #tpu.memory_space<vmem>>, vector<16xi32>,
      %swap3A_244 = vector.shape_cast %swap3A_243 : vector<16xi32> to vector<16xi32>
      %swap3A_245 = vector.shape_cast %select_n3A_242 : vector<16xi32> to vector<16xi32>
      tpu.vector_store %arg7[%swap3A], %swap3A_245 {strides = array<i32>} : memref<512xi32, #tpu.memory_space<vmem>>, vector<16xi32>,
    }
    %scan3A_25 = arith.constant 32 : i32
    "tpu.region"() ({
      %run_scoped3A = tpu.sem_alloc : memref<!tpu.dma_semaphore, #tpu.memory_space<semaphore_mem>>
      %dma_start3A = tpu.memref_slice %arg4[%mul3A_2] : memref<16384xi32, #tpu.memory_space<hbm>> -> memref<512xi32, #tpu.memory_space<hbm>>
      %dma_start3A_26 = tpu.memref_slice %arg4[%mul3A_2] : memref<16384xi32, #tpu.memory_space<hbm>> -> memref<512xi32, #tpu.memory_space<hbm>>
      tpu.enqueue_dma source(%arg7 : memref<512xi32, #tpu.memory_space<vmem>>) target(%dma_start3A_26 : memref<512xi32, #tpu.memory_space<hbm>>) target_semaphore(%run_scoped3A : memref<!tpu.dma_semaphore, #tpu.memory_space<semaphore_mem>>)
      %dma_wait3A = tpu.memref_slice %arg4[%mul3A_2] : memref<16384xi32, #tpu.memory_space<hbm>> -> memref<512xi32, #tpu.memory_space<hbm>>
      %dma_wait3A_27 = tpu.memref_slice %arg4[%mul3A_2] : memref<16384xi32, #tpu.memory_space<hbm>> -> memref<512xi32, #tpu.memory_space<hbm>>
      tpu.wait_dma2 semaphore(%run_scoped3A : memref<!tpu.dma_semaphore, #tpu.memory_space<semaphore_mem>>) src(%arg7 : memref<512xi32, #tpu.memory_space<vmem>>) dst(%dma_wait3A_27 : memref<512xi32, #tpu.memory_space<hbm>>)
      tpu.yield
    }) : () -> ()
    return
  }
}

module attributes {stable_mosaic.version = 14 : i64} {
  func.func @_tc_body(%arg0: i32, %arg1: memref<512xi32, #tpu.memory_space<vmem>>, %arg2: memref<512x1024xf32, #tpu.memory_space<vmem>>, %arg3: memref<512x1024xf32, #tpu.memory_space<vmem>>, %arg4: memref<512x1024xf32, #tpu.memory_space<vmem>>) attributes {dimension_semantics = [#tpu.dimension_semantics<arbitrary>], iteration_bounds = array<i64: 32>, scalar_prefetch = 0 : i64, scratch_operands = 0 : i64, tpu.core_type = #tpu.core_type<tc>, window_params = [{transform_indices = @transform_0, window_bounds = array<i64: 512>}, {transform_indices = @transform_1, window_bounds = array<i64: 512, 1024>}, {transform_indices = @transform_2, window_bounds = array<i64: 512, 1024>}, {transform_indices = @transform_3, window_bounds = array<i64: 512, 1024>}]} {
    %get3A = arith.constant 0 : index
    %get3A_0 = vector.load %arg1[%get3A] : memref<512xi32, #tpu.memory_space<vmem>>, vector<512xi32>
    %iota3A = tpu.iota {dimensions = array<i32: 1>} : vector<512x1024xi32>
    %broadcast_in_dim3A = vector.shape_cast %get3A_0 : vector<512xi32> to vector<512x1xi32>
    %eq3A = vector.broadcast %broadcast_in_dim3A : vector<512x1xi32> to vector<512x1024xi32>
    %eq3A_1 = arith.cmpi eq, %iota3A, %eq3A : vector<512x1024xi32>
    %convert_element_type3A = arith.extui %eq3A_1 : vector<512x1024xi1> to vector<512x1024xi32>
    %convert_element_type3A_2 = arith.sitofp %convert_element_type3A : vector<512x1024xi32> to vector<512x1024xf32>
    %swap3A = arith.constant 0 : index
    %swap3A_3 = arith.constant 0 : index
    %swap3A_4 = vector.load %arg2[%swap3A, %swap3A_3] : memref<512x1024xf32, #tpu.memory_space<vmem>>, vector<512x1024xf32>
    tpu.vector_store %arg2[%swap3A, %swap3A_3], %convert_element_type3A_2 {strides = array<i32>} : memref<512x1024xf32, #tpu.memory_space<vmem>>, vector<512x1024xf32>,
    %swap3A_5 = arith.constant 0 : index
    %swap3A_6 = arith.constant 0 : index
    %swap3A_7 = vector.load %arg4[%swap3A_5, %swap3A_6] : memref<512x1024xf32, #tpu.memory_space<vmem>>, vector<512x1024xf32>
    tpu.vector_store %arg4[%swap3A_5, %swap3A_6], %convert_element_type3A_2 {strides = array<i32>} : memref<512x1024xf32, #tpu.memory_space<vmem>>, vector<512x1024xf32>,
    %jit3A = arith.constant 0.000000e+00 : f32
    %jit3A_8 = arith.constant -1.000000e+06 : f32
    %broadcast_in_dim3A_9 = vector.broadcast %jit3A : f32 to vector<512x1024xf32>
    %broadcast_in_dim3A_10 = vector.broadcast %jit3A_8 : f32 to vector<512x1024xf32>
    %select_n3A = arith.select %eq3A_1, %broadcast_in_dim3A_9, %broadcast_in_dim3A_10 : vector<512x1024xi1>, vector<512x1024xf32>
    %swap3A_11 = arith.constant 0 : index
    %swap3A_12 = arith.constant 0 : index
    %swap3A_13 = vector.load %arg3[%swap3A_11, %swap3A_12] : memref<512x1024xf32, #tpu.memory_space<vmem>>, vector<512x1024xf32>
    tpu.vector_store %arg3[%swap3A_11, %swap3A_12], %select_n3A {strides = array<i32>} : memref<512x1024xf32, #tpu.memory_space<vmem>>, vector<512x1024xf32>,
    return
  }
  func.func @transform_0(%arg0: i32) -> i32 {
    %c0_i32 = arith.constant 0 : i32
    return %arg0 : i32
  }
  func.func @transform_1(%arg0: i32) -> (i32, i32) {
    %c0_i32 = arith.constant 0 : i32
    %c0_i32_0 = arith.constant 0 : i32
    return %arg0, %c0_i32 : i32, i32
  }
  func.func @transform_2(%arg0: i32) -> (i32, i32) {
    %c0_i32 = arith.constant 0 : i32
    %c0_i32_0 = arith.constant 0 : i32
    return %arg0, %c0_i32 : i32, i32
  }
  func.func @transform_3(%arg0: i32) -> (i32, i32) {
    %c0_i32 = arith.constant 0 : i32
    %c0_i32_0 = arith.constant 0 : i32
    return %arg0, %c0_i32 : i32, i32
  }
}

</mosaic_0001>

<sc_bundles>
// kernel: kernel.4.cloned.1.call-start
scs
__scs_entry_jumppad:
0x0: {  	(pc) =	sbr.rel $0x88, $3  }
0x1: {  	(tag) =	ssettag $0x0;
	lr =	simm.s32 $0x1  }
0x2: {  	[smem:$0x3F9F] =	sst lr;
	_ =	strace $0xD0000000  }
0x3: {  	_ = 	snop  }
0x4: {  	_ = 	snop  }
0x5: {  	_ = 	snop  }
0x6: {  	_ = 	snop  }
0x7: {  	_ = 	snop  }
__scs_overlays_trampoline_lowered:
0x8: {  	[smem:$0x3FAE] =	sst s0  }
0x9: {  	[smem:$0x3FAF] =	sst s1  }
0xa: {  	[smem:$0x3FB0] =	sst s2  }
0xb: {  	[smem:$0x3FB1] =	sst s3  }
0xc: {  	[smem:$0x3FB2] =	sst s4  }
0xd: {  	[smem:$0x3FB3] =	sst s5  }
0xe: {  	[smem:$0x3FB4] =	sst s6  }
0xf: {  	[smem:$0x3FB5] =	sst s7  }
0x10: {  	[smem:$0x3FB6] =	sst s8  }
0x11: {  	[smem:$0x3FB7] =	sst s9;
	s0 =	simm.s32 @!p0 $0x0  }
0x12: {  	s1 =	sld [smem:$0x3F9D];
	s0 =	simm.s32 @p0 $0x1  }
0x13: {  	[smem:$0x3FB8] =	sst s0;
	s0 =	simm.s32 @!p1 $0x0  }
0x14: {  	s2 =	sld [smem:$0x3F9C];
	s0 =	simm.s32 @p1 $0x1  }
0x15: {  	[smem:$0x3FB9] =	sst s0;
	s0 =	simm.s32 @!p2 $0x0  }
0x16: {  	s3 =	sld [smem:$0x3FDB];
	s0 =	simm.s32 @p2 $0x1  }
0x17: {  	s4 =	simm.s32 $0x1BF5;
	[smem:$0x3FBB] =	sst s0  }
0x18: {  	s0 =	sld [smem:$0x3F9E];
	_ =	swait.ge [sflag:s4], $0x0  }
0x19: {  	s7 =	sld [smem:$0x3F9F]  }
0x1a: {  	s8 =	sadd.s32 $0xFFFFE003, lr  }
0x1b: {  	s9 =	sadd.s32 $0xFFFFFEF7, lr;
	s5 =	simm.s32 $0xFFFFFFFF;
	p2 =	slt.u32 s8, $0xFFFFF086  }
0x1c: {  	p1 =	slt.u32 s9, $0xF7A;
	s5 =	simm.s32 @!p2 $0x0  }
0x1d: {  	s5 =	simm.s32 @p1 $0x1;
	p0 =	seq.s32 s7, s2  }
0x1e: {  	s7 =	smul.u32 @!p0 $0xF7A, s2;
	p2 =	seq.s32 @!p0 s5, $0x0  }
0x1f: {  	s9 =	smul.u32 $0xF7A, s1;
	s8 =	simm.s32 @!p0 $0x1BF5;
	p2 =	por !p2, p0  }
0x20: {  	[sflag:s8] =	ssyncset.s32 @!p0 $0xFFFFF086;
	s6 =	sadd.s32 @!p0 s3, s7;
	s7 =	simm.s32 @!p0 $0x108  }
0x21: {  	s3 =	sadd.s32 s3, s9;
	s6 =	sadd.s32 @!p0 $0x88, s6;
	s7 =	simm.s32 @p2 $0x1082  }
0x22: {  	[simem:s7], [sflag:s8] =	dma.local @!p0 [hbm:s6], $0xF7A  }
0x23: {  	s9 =	sor.u32 $0xD0000000, s2;
	s6 =	simm.s32 $0x108;
	_ =	swait.ge @!p0 [sflag:s8], $0x0  }
0x24: {  	s3 =	sadd.s32 $0x88, s3;
	s6 =	simm.s32 @!p1 $0x1082;
	[sflag:s4] =	ssyncset.s32 $0xFFFFF086  }
0x25: {  	[simem:s6], [sflag:s4] =	dma.local [hbm:s3], $0xF7A  }
0x26: {  	[smem:$0x3F9F] =	sst s1;
	(tag) =	ssettag s2;
	_ =	strace s9  }
0x27: {  	s1 =	sld [smem:$0x3FAF]  }
0x28: {  	s2 =	sld [smem:$0x3FB0]  }
0x29: {  	s4 =	sld [smem:$0x3FB2]  }
0x2a: {  	p0 =	seq.s32 s5, $0x0;
	s5 =	sld [smem:$0x3FB3]  }
0x2b: {  	s6 =	sld [smem:$0x3FB4]  }
0x2c: {  	s7 =	sld [smem:$0x3FB5]  }
0x2d: {  	s3 =	simm.s32 $0x108;
	s8 =	sld [smem:$0x3FB6]  }
0x2e: {  	s3 =	simm.s32 @!p0 $0x1082;
	s9 =	sld [smem:$0x3FB7]  }
0x2f: {  	lr =	sadd.s32 s0, s3;
	s0 =	sld [smem:$0x3FAE]  }
0x30: {  	s3 =	sld [smem:$0x3FB1]  }
0x31: {  	[smem:$0x3FBA] =	sst s10  }
0x32: {  	s10 =	sld [smem:$0x3FB8];
	_ =	sdelay $0x3  }
0x33: {  	p0 =	seq.s32 s10, $0x1;
	s10 =	sld [smem:$0x3FBA];
	_ =	sdelay $0x3  }
0x34: {  	[smem:$0x3FBA] =	sst s10  }
0x35: {  	s10 =	sld [smem:$0x3FB9];
	_ =	sdelay $0x3  }
0x36: {  	p1 =	seq.s32 s10, $0x1;
	s10 =	sld [smem:$0x3FBA];
	_ =	sdelay $0x3  }
0x37: {  	[smem:$0x3FBA] =	sst s10  }
0x38: {  	s10 =	sld [smem:$0x3FBB]  }
0x39: {  	_ = 	snop;
	(pc) =	sbr.ind lr, $3  }
0x3a: {  	_ = 	snop  }
0x3b: {  	_ = 	snop  }
0x3c: {  	p2 =	seq.s32 s10, $0x1;
	s10 =	sld [smem:$0x3FBA]  }
0x3d: {  	_ =	shalt  }
0x3e: {  	_ =	shalt  }
0x3f: {  	_ =	shalt  }
0x40: {  	_ =	shalt  }
0x41: {  	_ =	shalt  }
0x42: {  	_ =	shalt  }
0x43: {  	_ =	shalt  }
0x44: {  	_ =	shalt  }
0x45: {  	_ =	shalt  }
0x46: {  	_ =	shalt  }
0x47: {  	_ =	shalt  }
0x48: {  	_ =	shalt  }
0x49: {  	_ =	shalt  }
0x4a: {  	_ =	shalt  }
0x4b: {  	_ =	shalt  }
0x4c: {  	_ =	shalt  }
0x4d: {  	_ =	shalt  }
0x4e: {  	_ =	shalt  }
0x4f: {  	_ =	shalt  }
0x50: {  	_ =	shalt  }
0x51: {  	_ =	shalt  }
0x52: {  	_ =	shalt  }
0x53: {  	_ =	shalt  }
0x54: {  	_ =	shalt  }
0x55: {  	_ =	shalt  }
0x56: {  	_ =	shalt  }
0x57: {  	_ =	shalt  }
0x58: {  	_ =	shalt  }
0x59: {  	_ =	shalt  }
0x5a: {  	_ =	shalt  }
0x5b: {  	_ =	shalt  }
0x5c: {  	_ =	shalt  }
0x5d: {  	_ =	shalt  }
0x5e: {  	_ =	shalt  }
0x5f: {  	_ =	shalt  }
0x60: {  	_ =	shalt  }
0x61: {  	_ =	shalt  }
0x62: {  	_ =	shalt  }
0x63: {  	_ =	shalt  }
0x64: {  	_ =	shalt  }
0x65: {  	_ =	shalt  }
0x66: {  	_ =	shalt  }
0x67: {  	_ =	shalt  }
0x68: {  	_ =	shalt  }
0x69: {  	_ =	shalt  }
0x6a: {  	_ =	shalt  }
0x6b: {  	_ =	shalt  }
0x6c: {  	_ =	shalt  }
0x6d: {  	_ =	shalt  }
0x6e: {  	_ =	shalt  }
0x6f: {  	_ =	shalt  }
0x70: {  	_ =	shalt  }
0x71: {  	_ =	shalt  }
0x72: {  	_ =	shalt  }
0x73: {  	_ =	shalt  }
0x74: {  	_ =	shalt  }
0x75: {  	_ =	shalt  }
0x76: {  	_ =	shalt  }
0x77: {  	_ =	shalt  }
0x78: {  	_ =	shalt  }
0x79: {  	_ =	shalt  }
0x7a: {  	_ =	shalt  }
0x7b: {  	_ =	shalt  }
0x7c: {  	_ =	shalt  }
0x7d: {  	_ =	shalt  }
0x7e: {  	_ =	shalt  }
0x7f: {  	_ =	shalt  }
0x80: {  	_ =	shalt  }
0x81: {  	_ =	shalt  }
0x82: {  	_ =	shalt  }
0x83: {  	_ =	shalt  }
0x84: {  	_ =	shalt  }
0x85: {  	_ =	shalt  }
0x86: {  	_ =	shalt  }
0x87: {  	_ =	shalt  }
.Lfunc_end0:
.L_simem_size_0:
called_computation_lowered:
.L_overlay_start_0:
0x88: {  	s2 =	sld [smem:$0x3FD9]  }
0x89: {  	s3 =	sld [smem:$0x3FFE];
	_ =	sdelay $0x1  }
0x8a: {  	s1 =	srdreg.scid  }
0x8b: {  	s0 =	sand.u32 $0x1, s1  }
0x8c: {  	s15 =	sshll.u32 s0, $0xA;
	s2 =	sadd.s32 s3, s2  }
0x8d: {  	s2 =	sadd.s32 s2, s15  }
0x8e: {  	[smem:$0x3FC6] =	sst s2  }
0x8f: {  	_ = 	snop  }
0x90: {  	s2 =	sld [smem:$0x3FD0];
	_ =	sdelay $0x2  }
0x91: {  	s16 =	simm.s32 $0xA;
	s4 =	simm.s32 $0x10  }
0x92: {  	[smem:s4], [sflag:s16] =	dma.local [hbm:s2], $0x1  }
0x93: {  	_ =	swait.eq [sflag:s16], $0x1  }
0x94: {  	s17 =	sld [smem:$0x11];
	[sflag:s16] =	ssyncset.done $0x0  }
0x95: {  	s18 =	sld [smem:$0x12];
	[sflag:s16] =	ssyncadd.s32 $0xFFFFFFFF  }
0x96: {  	s19 =	sld [smem:$0x13];
	(tm) =	ssettm $0x1  }
0x97: {  	s5 =	sld [smem:$0x3FFB];
	_ =	sdelay $0x3  }
0x98: {  	_ =	strace s5  }
0x99: {  	s5 =	sld [smem:$0x3FFC];
	_ =	sdelay $0x3  }
0x9a: {  	_ =	strace s5  }
0x9b: {  	s5 =	sld [smem:$0x3FFD];
	_ =	sdelay $0x3  }
0x9c: {  	_ =	strace s5  }
0x9d: {  	_ =	strace $0x8FFFFFFF  }
0x9e: {  	s20 =	sld [smem:$0x3FDB];
	_ =	sdelay $0x1  }
0x9f: {  	s6 =	simm.s32 $_scs_section_size  }
0xa0: {  	s7 =	simm.s32 $_size__tile_overlayer_lowered;
	s8 =	simm.s32 $_tile_overlayer_lowered  }
0xa1: {  	s23 =	simm.s32 $0x1BFF;
	s22 =	sshll.u32 s8, $0x1;
	s5 =	sadd.s32 s6, s20  }
0xa2: {  	s9 =	simm.s32 $0x0;
	s21 =	sshll.u32 s7, $0x1;
	s7 =	sadd.s32 s22, s5  }
0xa3: {  	[timem:s9], [sflag:s23] =	dma.local [hbm:s7], s21  }
0xa4: {  	_ =	swait.ge [sflag:s23], s21  }
0xa5: {  	s6 =	ssub.s32 $0x0, s21;
	[sflag:s23] =	ssyncset.done $0x0  }
0xa6: {  	[sflag:s23] =	ssyncadd.s32 s6;
	_ =	sdelay $0x1  }
0xa7: {  	s24 =	simm.s32 $0x1B8B  }
0xa8: {  	_ =	swait.ge [sflag:s24], $0x1  }
0xa9: {  	[sflag:s24] =	ssyncset.done $0x0  }
0xaa: {  	s25 =	simm.s32 $0x1B8E;
	[sflag:s24] =	ssyncadd.s32 $0xFFFFFFFF  }
0xab: {  	s26 =	simm.s32 $execute0_lowered;
	[smem:$0x3FD2] =	sst s25  }
0xac: {  	s6 =	sshll.u32 s26, $0x1;
	_ =	strace $0x80000046;
	[dreg:$0x1] =	wrdreg $0xFFFFFFFF  }
0xad: {  	s28 =	simm.s32 $_size_execute0_lowered;
	s5 =	sadd.s32 s5, s6;
	[dreg:$0x0] =	wrdreg $0x0  }
0xae: {  	s6 =	sshll.u32 s28, $0x1;
	[dreg:$0x2] =	wrdreg s5  }
0xaf: {  	[dreg:$0x3] =	wrdreg s6  }
0xb0: {  	[dreg:$0x4] =	wrdreg $0xC0  }
0xb1: {  	_ =	task [dreg:s9], $0x5FFFF  }
0xb2: {  	[dreg:$0x1] =	wrdreg $0xFFFFFFFF  }
0xb3: {  	[dreg:$0x0] =	wrdreg $0x60  }
0xb4: {  	[dreg:$0x2] =	wrdreg s18  }
0xb5: {  	[dreg:$0x3] =	wrdreg s17  }
0xb6: {  	[dreg:$0x4] =	wrdreg s19  }
0xb7: {  	[dreg:$0x5] =	wrdreg $0x9  }
0xb8: {  	_ =	task.clear_ibuf [dreg:s9], $0x6FFFF;
	_ =	strace $0x90000046  }
0xb9: {  	s29 =	simm.s32 $0x9;
	_ =	strace $0x80000048  }
0xba: {  	_ =	swait.ge [sflag:s29], $0x1  }
0xbb: {  	[sflag:s29] =	ssyncadd.s32 $0xFFFFFFFF  }
0xbc: {  	_ =	strace $0x90000048  }
0xbd: {  	_ =	sfence  }
0xbe: {  	s30 =	sld [smem:$0x0];
	_ =	sdelay $0x2  }
0xbf: {  	s31 =	sshll.u32 s1, $0xD;
	s1 =	sshrl.u32 s1, $0x2  }
0xc0: {  	s3 =	sand.u32 $0x4000, s31;
	s1 =	sadd.s32 s1, s30  }
0xc1: {  	s0 =	sor.u32 s3, s0;
	s1 =	sshll.u32 s1, $0x11  }
0xc2: {  	s0 =	sor.u32 s1, s0  }
0xc3: {  	s0 =	sadd.s32 $0x8F2B, s0  }
0xc4: {  	[sflag:s0] =	ssyncadd.remote.s32 $0x1  }
0xc5: {  	_ =	sfence.sel $0xFFFF  }
0xc6: {  	[dreg:$0x0] =	wrdreg $0xFFFFFFFF;
	(pc) =	sbr.abs _section_cstart, $3  }
0xc7: {  	[dreg:$0x1] =	wrdreg $0xFFFFFFFF  }
0xc8: {  	_ =	task.clear_ibuf [dreg:s9], $0x2FFFF;
	_ =	strace $0x9FFFFFFF  }
0xc9: {  	(tm) =	ssettm $0x7FFFFFFF  }
tec
execute0_lowered:
.L_overlay_start_1:
0x0: {  	(tag) =	ssettag $0x1  }
0x1: {  	s4 =	rddreg [dreg:$0x0]  }
0x2: {  	s2 =	rddreg [dreg:$0x1];
	s1 =	srdreg.scid  }
0x3: {  	s0 =	stileid.u32;
	s5 =	rddreg [dreg:$0x2];
	s3 =	simm.s32 $0x0  }
0x4: {  	s10 =	simm.s32 $0x0;
	s6 =	sand.u32 $0x1, s1;
	s7 =	sshll.u32 s0, $0x1  }
0x5: {  	[smem:$0x7FF] =	sst s3;
	s7 =	sor.u32 s6, s7;
	s6 =	ssub.s32 $0x2, s6  }
0x6: {  	s1 =	rddreg [dreg:$0x3];
	_ =	strace $0x80000047;
	s9 =	sshrl.u32 s6, $0x1  }
0x7: {  	s8 =	smul.u32 $0x480, s7;
	s7 =	sshll.u32 s7, $0x6;
	s6 =	ssub.s32 s6, s9  }
0x8: {  	s5 =	sadd.s32 s5, s7;
	s7 =	simm.s32 $0x1;
	s9 =	simm.s32 $0x2480  }
0x9: {  	v0 =	vimm.s32 $0x0;
	s4 =	sadd.s32 s4, s8;
	s6 =	smax.u32 s6, $0x1;
	s8 =	simm.s32 $0x2400  }
.LBB2_1:
0xa: {  	[tilespmem:s3], [sflag:$0x1] =	stream.linear.gather [hbm4b:s4+s3], $0x2400, $0x38;
	[tilespmem:$0x2680] =	vst v63  }
0xb: {  	_ =	swait.ge [sflag:s7], $0x2400  }
0xc: {  	[sflag:s7] =	ssyncset.done $0x0  }
0xd: {  	[sflag:s7] =	ssyncadd.s32 $0xFFFFDC00  }
0xe: {  	[tilespmem:s8], [sflag:$0x1] =	stream.linear.gather [hbm4b:s2+s3], $0x80, $0x38;
	[tilespmem:$0x2680] =	vst v63  }
0xf: {  	_ =	swait.ge [sflag:s7], $0x80  }
0x10: {  	[sflag:s7] =	ssyncset.done $0x0  }
0x11: {  	[sflag:s7] =	ssyncadd.s32 $0xFFFFFF80  }
0x12: {  	s11 =	sand.u32 $0x1F0, s3;
	v1 =	vld [tilespmem:s3+$0x0]  }
0x13: {  	v2 =	vld [tilespmem:s11+$0x200]  }
0x14: {  	v3 =	vld [tilespmem:s11+$0x1600]  }
0x15: {  	v4 =	vld [tilespmem:s11+$0x400]  }
0x16: {  	v5 =	vld [tilespmem:s11+$0x1400]  }
0x17: {  	v6 =	vld [tilespmem:s11+$0x600]  }
0x18: {  	v7 =	vld [tilespmem:s11+$0x1800];
	vm0 =	vgt.f32 v2, v1  }
0x19: {  	v1 =	vsel vm0, v2, v1;
	v2 =	vld [tilespmem:s11+$0x800]  }
0x1a: {  	v8 =	vld [tilespmem:s11+$0x1A00];
	vm1 =	vgt.f32 v4, v1  }
0x1b: {  	vm2 =	vgt.f32 v3, v5;
	v1 =	vsel vm1, v4, v1;
	v4 =	vld [tilespmem:s11+$0xA00]  }
0x1c: {  	v9 =	vsel vm0, $0x1, v0;
	v3 =	vsel vm2, v3, v5;
	v5 =	vld [tilespmem:s11+$0x1C00];
	vm10 =	vgt.f32 v6, v1  }
0x1d: {  	v10 =	vsel vm2, $0xA, v0;
	vm11 =	vgt.f32 v7, v3;
	v1 =	vsel vm10, v6, v1;
	v6 =	vld [tilespmem:s11+$0xC00]  }
0x1e: {  	v9 =	vsel vm1, $0x2, v9;
	v3 =	vsel vm11, v7, v3;
	v7 =	vld [tilespmem:s11+$0x1E00];
	vm12 =	vgt.f32 v2, v1  }
0x1f: {  	v10 =	vsel vm11, $0x14, v10;
	vm3 =	vgt.f32 v8, v3;
	v1 =	vsel vm12, v2, v1;
	v2 =	vld [tilespmem:s11+$0xE00]  }
0x20: {  	v9 =	vsel vm10, $0x3, v9;
	v3 =	vsel vm3, v8, v3;
	v8 =	vld [tilespmem:s11+$0x2000];
	vm13 =	vgt.f32 v4, v1  }
0x21: {  	v10 =	vsel vm3, $0x1E, v10;
	vm14 =	vgt.f32 v5, v3;
	v1 =	vsel vm13, v4, v1;
	v4 =	vld [tilespmem:s11+$0x1000]  }
0x22: {  	v3 =	vsel vm14, v5, v3;
	v5 =	vld [tilespmem:s11+$0x2200];
	v10 =	vsel vm14, $0x28, v10;
	vm15 =	vgt.f32 v6, v1  }
0x23: {  	v9 =	vsel vm12, $0x4, v9;
	vm5 =	vgt.f32 v7, v3;
	v1 =	vsel vm15, v6, v1;
	v6 =	vld [tilespmem:s11+$0x1200]  }
0x24: {  	v3 =	vsel vm5, v7, v3;
	v7 =	vsel vm5, $0x32, v10;
	vm6 =	vgt.f32 v2, v1  }
0x25: {  	v9 =	vsel vm13, $0x5, v9;
	vm7 =	vgt.f32 v8, v3;
	v2 =	vsel vm6, v2, v1  }
0x26: {  	v9 =	vsel vm15, $0x6, v9;
	v3 =	vsel vm7, v8, v3;
	vm8 =	vgt.f32 v4, v2  }
0x27: {  	vm9 =	vgt.f32 v5, v3;
	v1 =	vld [tilespmem:$0x2400];
	v8 =	vsel vm6, $0x7, v9;
	v4 =	vsel vm8, v4, v2  }
0x28: {  	v2 =	vld [tilespmem:$0x2410];
	v5 =	vsel vm8, $0x8, v8;
	vm10 =	vgt.f32 v6, v4;
	v4 =	vsel vm7, $0x3C, v7  }
0x29: {  	v3 =	vld [tilespmem:$0x2420];
	v5 =	vsel vm10, $0x9, v5;
	v6 =	vsel vm9, $0x46, v4  }
0x2a: {  	v4 =	vld [tilespmem:$0x2430];
	v6 =	vadd.s32 v5, v6  }
0x2b: {  	v5 =	vld [tilespmem:$0x2440];
	v7 =	vand.u32 $0xF, v6  }
0x2c: {  	v6 =	vshrl.u32 v6, $0x4;
	v8 =	vperm.xlane v1, v7  }
0x2d: {  	vm11 =	veq.s32 v6, $0x0;
	v61 =	vperm.xlane v2, v7  }
0x2e: {  	vm12 =	veq.s32 v6, $0x1;
	v62 =	vperm.xlane v3, v7;
	v8 =	vnsel vm11, $0x0, v8  }
0x2f: {  	vm13 =	veq.s32 v6, $0x2;
	v63 =	vperm.xlane v4, v7;
	v8 =	vsel vm12, v61, v8  }
0x30: {  	vm14 =	veq.s32 v6, $0x3;
	v7 =	vperm.xlane v5, v7;
	v8 =	vsel vm13, v62, v8  }
0x31: {  	vm15 =	veq.s32 v6, $0x4;
	v8 =	vsel vm14, v63, v8  }
0x32: {  	s12 =	simm.s32 $0x2480;
	s13 =	simm.s32 $0x0;
	s11 =	simm.s32 $0x10;
	v6 =	vsel vm15, v7, v8  }
.LBB2_2:
0x33: {  	p0 =	sne.s32 s11, $0x1F0;
	[tilespmem:s12+$0x0] =	vst v6;
	s13 =	sadd.s32 $0x10, s13;
	s12 =	sadd.s32 $0x10, s12  }
0x34: {  	s14 =	sand.u32 $0x1F0, s11;
	s11 =	sadd.s32 $0x10, s11;
	v6 =	vld [tilespmem:s13+$0x0]  }
0x35: {  	v7 =	vld [tilespmem:s14+$0x200]  }
0x36: {  	v8 =	vld [tilespmem:s14+$0x1600]  }
0x37: {  	v9 =	vld [tilespmem:s14+$0x400]  }
0x38: {  	v10 =	vld [tilespmem:s14+$0x1400]  }
0x39: {  	v11 =	vld [tilespmem:s14+$0x600]  }
0x3a: {  	vm0 =	vgt.f32 v7, v6;
	v12 =	vld [tilespmem:s14+$0x1800]  }
0x3b: {  	v6 =	vsel vm0, v7, v6;
	v7 =	vld [tilespmem:s14+$0x800]  }
0x3c: {  	vm1 =	vgt.f32 v9, v6;
	v13 =	vld [tilespmem:s14+$0x1A00]  }
0x3d: {  	v6 =	vsel vm1, v9, v6;
	v9 =	vld [tilespmem:s14+$0xA00];
	vm2 =	vgt.f32 v8, v10  }
0x3e: {  	v14 =	vsel vm0, $0x1, v0;
	vm0 =	vgt.f32 v11, v6;
	v8 =	vsel vm2, v8, v10;
	v10 =	vld [tilespmem:s14+$0x1C00]  }
0x3f: {  	v14 =	vsel vm1, $0x2, v14;
	v6 =	vsel vm0, v11, v6;
	v11 =	vld [tilespmem:s14+$0xC00];
	vm1 =	vgt.f32 v12, v8  }
0x40: {  	v14 =	vsel vm0, $0x3, v14;
	vm0 =	vgt.f32 v7, v6;
	v8 =	vsel vm1, v12, v8;
	v12 =	vld [tilespmem:s14+$0x1E00]  }
0x41: {  	v15 =	vsel vm2, $0xA, v0;
	v6 =	vsel vm0, v7, v6;
	v7 =	vld [tilespmem:s14+$0xE00];
	vm3 =	vgt.f32 v13, v8  }
0x42: {  	v15 =	vsel vm1, $0x14, v15;
	vm2 =	vgt.f32 v9, v6;
	v8 =	vsel vm3, v13, v8;
	v13 =	vld [tilespmem:s14+$0x2000]  }
0x43: {  	v15 =	vsel vm3, $0x1E, v15;
	v6 =	vsel vm2, v9, v6;
	v9 =	vld [tilespmem:s14+$0x1000];
	vm1 =	vgt.f32 v10, v8  }
0x44: {  	vm3 =	vgt.f32 v11, v6;
	v8 =	vsel vm1, v10, v8;
	v10 =	vld [tilespmem:s14+$0x2200];
	v15 =	vsel vm1, $0x28, v15  }
0x45: {  	v14 =	vsel vm0, $0x4, v14;
	v6 =	vsel vm3, v11, v6;
	v11 =	vld [tilespmem:s14+$0x1200];
	vm0 =	vgt.f32 v12, v8  }
0x46: {  	vm1 =	vgt.f32 v7, v6;
	v8 =	vsel vm0, v12, v8;
	v12 =	vsel vm0, $0x32, v15  }
0x47: {  	v14 =	vsel vm2, $0x5, v14;
	v6 =	vsel vm1, v7, v6;
	vm0 =	vgt.f32 v13, v8  }
0x48: {  	v7 =	vsel vm3, $0x6, v14;
	vm2 =	vgt.f32 v9, v6;
	v8 =	vsel vm0, v13, v8  }
0x49: {  	v7 =	vsel vm1, $0x7, v7;
	v6 =	vsel vm2, v9, v6;
	vm1 =	vgt.f32 v10, v8  }
0x4a: {  	v7 =	vsel vm2, $0x8, v7;
	vm2 =	vgt.f32 v11, v6;
	v6 =	vsel vm0, $0x3C, v12  }
0x4b: {  	v7 =	vsel vm2, $0x9, v7;
	v6 =	vsel vm1, $0x46, v6  }
0x4c: {  	v6 =	vadd.s32 v7, v6  }
0x4d: {  	v7 =	vshrl.u32 v6, $0x4;
	v6 =	vand.u32 $0xF, v6  }
0x4e: {  	v8 =	vperm.xlane v1, v6  }
0x4f: {  	vm0 =	veq.s32 v7, $0x0;
	v9 =	vperm.xlane v2, v6  }
.Ltmp0:
0x50: {  	v10 =	vperm.xlane v3, v6;
	v8 =	vnsel vm0, $0x0, v8;
	vm0 =	veq.s32 v7, $0x1;
	(pc) =	sbr.rel @p0 .LBB2_2-.Ltmp0, $4  }
0x51: {  	v8 =	vsel vm0, v9, v8;
	vm0 =	veq.s32 v7, $0x2;
	v9 =	vperm.xlane v4, v6  }
0x52: {  	v6 =	vperm.xlane v5, v6;
	v8 =	vsel vm0, v10, v8;
	vm0 =	veq.s32 v7, $0x3  }
0x53: {  	v8 =	vsel vm0, v9, v8;
	vm0 =	veq.s32 v7, $0x4  }
0x54: {  	v6 =	vsel vm0, v6, v8  }
0x55: {  	s10 =	sadd.s32 $0x1, s10  }
0x56: {  	p0 =	sne.s32 s10, s6  }
.Ltmp1:
0x57: {  	[tilespmem:s12+$0x0] =	vst v6;
	(pc) =	sbr.rel @p0 .LBB2_1-.Ltmp1, $4  }
0x58: {  	[hbm4b:s5+s3] =	stream.linear.scatter [tilespmem:s9], [sflag:$0x1], $0x200, $0x38;
	[tilespmem:$0x2680] =	vst v63  }
0x59: {  	_ =	swait.ge [sflag:s7], $0x200  }
0x5a: {  	[sflag:s7] =	ssyncset.done $0x0  }
0x5b: {  	[sflag:s7] =	ssyncadd.s32 $0xFFFFFE00  }
0x5c: {  	_ =	sfence.sel $0x180000  }
0x5d: {  	[bflag:$0x0] =	sbarrier.arrive $0xFFFF  }
0x5e: {  	p0 =	sne.s32 s0, $0x0;
	_ =	strace $0x90000047  }
0x5f: {  	s0 =	sadd.s32 @!p0 $0x100000, s1;
	[bflag:$0x2] =	sbarrier.arrive $0xFFFF  }
0x60: {  	[sflag:s0] =	ssyncadd.tile.s32 @!p0 $0x1;
	_ =	shalt  }
.Lfunc_end2:
_tile_overlayer_lowered:
.L_overlay_start_2:
0x61: {  	(tag) =	ssettag $0x2  }
0x62: {  	s0 =	rddreg [dreg:$0x0];
	s2 =	stileid.u32  }
0x63: {  	s1 =	rddreg [dreg:$0x1];
	p0 =	sne.s32 s2, $0x0  }
0x64: {  	s3 =	rddreg [dreg:$0x2];
	[bflag:$0x3] =	sbarrier.arrive $0xFFFF;
	s2 =	simm.s32 @!p0 $0x1C01  }
0x65: {  	[timem:s3], [sflag:s2] =	dma.local @!p0 [hbm:s0], s1  }
0x66: {  	s0 =	simm.s32 @!p0 $0x1  }
0x67: {  	_ =	swait.ge @!p0 [sflag:s0], s1  }
0x68: {  	s1 =	ssub.s32 @!p0 $0x0, s1;
	[sflag:s0] =	ssyncset.done @!p0 $0x0  }
0x69: {  	[sflag:s0] =	ssyncadd.s32 @!p0 s1  }
0x6a: {  	[bflag:$0x3] =	sbarrier.arrive $0xFFFF  }
0x6b: {  	_ =	shalt  }

</sc_bundles>
